<compile_context>
chip_gen: v7x
topology: tpu7x:2x2x1
jax: 0.10.2.dev20260603
libtpu: 0.0.44.dev20260713+nightly
codegen_flags: <defaults>
</compile_context>

<pallas_src>
import functools
import math

import jax
import jax.numpy as jnp
import numpy as np
from jax.experimental import pallas as pl
from jax.experimental.pallas import tpu as pltpu

_FACTOR = 5
_KC = 512


def _m_body(q_ref, k_ref, ct_ref, m_ref):
    L, D = q_ref.shape[1], q_ref.shape[2]
    Qb = q_ref[0].astype(jnp.bfloat16)

    def qk_chunk(kc, carry):
        max_acc, sum_acc = carry
        Kc = k_ref[0, pl.ds(kc * _KC, _KC), :].astype(jnp.bfloat16)
        St = jax.lax.dot_general(
            Kc, Qb, (((1,), (1,)), ((), ())),
            preferred_element_type=jnp.float32)
        Ct = ct_ref[pl.ds(kc * _KC, _KC), :].astype(jnp.float32)
        masked = jnp.where(Ct > 0.0, St, -3e38)
        max_acc = jnp.maximum(max_acc, jnp.max(masked, axis=0, keepdims=True))
        sum_acc = sum_acc + jnp.sum(St * Ct, axis=0, keepdims=True)
        return max_acc, sum_acc

    max0 = jnp.full((1, L), -3e38, dtype=jnp.float32)
    sum0 = jnp.zeros((1, L), dtype=jnp.float32)
    max_acc, sum_acc = jax.lax.fori_loop(0, L // _KC, qk_chunk, (max0, sum0))
    m_ref[0] = max_acc - sum_acc * (1.0 / L)


def _topk_body(u, m_ref, idx_ref):
    BH, _, L = m_ref.shape
    rows = m_ref[:, 0, :]
    iota_l = jax.lax.broadcasted_iota(jnp.int32, (BH, L), 1)
    iota_u = jax.lax.broadcasted_iota(jnp.int32, (BH, u), 1)

    def step(t, carry):
        rows, acc = carry
        m = jnp.max(rows, axis=1, keepdims=True)
        cand = jnp.where(rows == m, iota_l, jnp.int32(2**30))
        i = jnp.min(cand, axis=1, keepdims=True)
        acc = jnp.where(iota_u == t, i, acc)
        rows = jnp.where(iota_l == i, -3e38, rows)
        return rows, acc

    _, acc = jax.lax.fori_loop(
        0, u, step, (rows, jnp.zeros((BH, u), jnp.int32)))
    idx_ref[:, 0, :] = acc


def _ctx_body(u, scale, q_ref, k_ref, v_ref, idx_ref, out_ref):
    L, D = q_ref.shape[1], q_ref.shape[2]
    Kb = k_ref[0].astype(jnp.bfloat16)
    V = v_ref[0]

    idx_row = idx_ref[0]
    iota_l = jax.lax.broadcasted_iota(jnp.int32, (u, L), 1)
    P = (idx_row.T == iota_l).astype(jnp.float32)

    Q_red = jax.lax.dot_general(
        P, q_ref[0], (((1,), (0,)), ((), ())),
        preferred_element_type=jnp.float32,
        precision=jax.lax.Precision.HIGHEST)
    scores = jax.lax.dot_general(
        Q_red.astype(jnp.bfloat16), Kb, (((1,), (1,)), ((), ())),
        preferred_element_type=jnp.float32) * scale
    smax = jnp.max(scores, axis=1, keepdims=True)
    e = jnp.exp(scores - smax)
    attn = e / jnp.sum(e, axis=1, keepdims=True)
    upd = jax.lax.dot_general(
        attn.astype(jnp.bfloat16), V.astype(jnp.bfloat16),
        (((1,), (0,)), ((), ())),
        preferred_element_type=jnp.float32)

    scattered = jax.lax.dot_general(
        P, upd, (((0,), (0,)), ((), ())),
        preferred_element_type=jnp.float32,
        precision=jax.lax.Precision.HIGHEST)
    covered = jnp.sum(P, axis=0)[:, None]
    v_mean = jnp.mean(V, axis=0, keepdims=True)
    out_ref[0] = scattered + (1.0 - covered) * v_mean


@jax.jit
def kernel(queries, keys, values, attn_mask):
    del attn_mask
    B, L, H, D = queries.shape
    L_K = keys.shape[1]
    u = min(_FACTOR * int(np.ceil(np.log(L))), L)
    U_part = min(_FACTOR * int(np.ceil(np.log(L_K))), L_K)
    scale = 1.0 / math.sqrt(D)
    BH = B * H

    skey = jax.random.key(42)
    index_sample = jax.random.randint(skey, (L, U_part), 0, L_K)
    C = jnp.zeros((L, L_K), jnp.float32).at[
        jnp.arange(L)[:, None], index_sample].add(1.0)
    C_T = C.T.astype(jnp.bfloat16)

    Qh = jnp.transpose(queries, (0, 2, 1, 3)).reshape(BH, L, D)
    Kh = jnp.transpose(keys, (0, 2, 1, 3)).reshape(BH, L_K, D)
    Vh = jnp.transpose(values, (0, 2, 1, 3)).reshape(BH, L_K, D)
    bh_spec = pl.BlockSpec((1, L, D), lambda i: (i, 0, 0))

    M_all = pl.pallas_call(
        _m_body,
        grid=(BH,),
        in_specs=[bh_spec, bh_spec, pl.BlockSpec((L_K, L), lambda i: (0, 0))],
        out_specs=pl.BlockSpec((1, 1, L), lambda i: (i, 0, 0)),
        out_shape=jax.ShapeDtypeStruct((BH, 1, L), jnp.float32),
    )(Qh, Kh, C_T)

    idx_all = pl.pallas_call(
        functools.partial(_topk_body, u),
        out_shape=jax.ShapeDtypeStruct((BH, 1, u), jnp.int32),
    )(M_all)

    ctx = pl.pallas_call(
        functools.partial(_ctx_body, u, scale),
        grid=(BH,),
        in_specs=[bh_spec, bh_spec, bh_spec,
                  pl.BlockSpec((1, 1, u), lambda i: (i, 0, 0))],
        out_specs=pl.BlockSpec((1, L, D), lambda i: (i, 0, 0)),
        out_shape=jax.ShapeDtypeStruct((BH, L, D), jnp.float32),
    )(Qh, Kh, Vh, idx_all)
    return ctx.reshape(B, H, L, D)

# --- scband reference (transcript-rebuilt; emitter-appended) ---
"""Pipeline reference for scband-prob-attention-1726576856564 (READ-ONLY COPY).

The authoritative reference and input builder live on the scoring server;
editing this copy changes nothing except your own understanding.
"""

import jax, jax.numpy as jnp
import numpy as np
import math

FACTOR = 5


def setup_inputs(seed: int = 0) -> dict:
    key = jax.random.key(seed)
    k1, k2, k3 = jax.random.split(key, 3)
    B, L, H, D = 2, 2048, 12, 64
    queries = jax.random.normal(k1, (B, L, H, D), dtype=jnp.float32)
    keys = jax.random.normal(k2, (B, L, H, D), dtype=jnp.float32)
    values = jax.random.normal(k3, (B, L, H, D), dtype=jnp.float32)
    attn_mask = jnp.zeros((1,), dtype=jnp.float32)
    return {"queries": queries, "keys": keys, "values": values, "attn_mask": attn_mask}


def _prob_attention(queries, keys, values):
    # ProbAttention (Informer) with mask_flag=False, output_attention=False
    B, L_Q, H, D = queries.shape
    L_K = keys.shape[1]
    Q = jnp.transpose(queries, (0, 2, 1, 3))  # [B,H,L_Q,D]
    K = jnp.transpose(keys, (0, 2, 1, 3))     # [B,H,L_K,D]
    V = jnp.transpose(values, (0, 2, 1, 3))   # [B,H,L_K,D]
    U_part = min(FACTOR * int(np.ceil(np.log(L_K))), L_K)
    u = min(FACTOR * int(np.ceil(np.log(L_Q))), L_Q)
    # _prob_QK: sample U_part keys per query position (fixed key for determinism)
    skey = jax.random.key(42)
    index_sample = jax.random.randint(skey, (L_Q, U_part), 0, L_K)
    K_sample = jnp.take(K, index_sample, axis=2)  # [B,H,L_Q,U_part,D]
    Q_K_sample = jnp.einsum('bhle,bhlse->bhls', Q, K_sample)  # [B,H,L_Q,U_part]
    M = jnp.max(Q_K_sample, axis=-1) - jnp.sum(Q_K_sample, axis=-1) / L_K  # [B,H,L_Q]
    _, M_top = jax.lax.top_k(M, u)  # [B,H,u]
    Q_reduce = jnp.take_along_axis(Q, M_top[..., None], axis=2)  # [B,H,u,D]
    scores = jnp.einsum('bhue,bhke->bhuk', Q_reduce, K)  # [B,H,u,L_K]
    scale = 1.0 / math.sqrt(D)
    scores = scores * scale
    # _get_initial_context (mask_flag=False): mean of V broadcast over L_Q
    V_mean = jnp.mean(V, axis=2, keepdims=True)  # [B,H,1,D]
    context = jnp.broadcast_to(V_mean, (B, H, L_Q, D))
    # _update_context: softmax over sampled top-u scores, scatter-overwrite rows
    attn = jax.nn.softmax(scores, axis=-1)  # [B,H,u,L_K]
    upd = jnp.einsum('bhuk,bhkd->bhud', attn, V)  # [B,H,u,D]
    b_idx = jnp.arange(B)[:, None, None]
    h_idx = jnp.arange(H)[None, :, None]
    context = context.at[b_idx, h_idx, M_top].set(upd)
    return context  # [B,H,L_Q,D]


def reference(queries, keys, values, attn_mask):
    # attn_mask unused when mask_flag=False (as in the torch module)
    return _prob_attention(queries, keys, values)

if __name__ == "__main__":
    import jax
    _d = setup_inputs()
    print(jax.jit(kernel)(*tuple(_d.values())))

</pallas_src>

<mosaic_0001>
module attributes {stable_mosaic.version = 14 : i64} {
  func.func @_m_body(%arg0: i32, %arg1: memref<1x2048x64xf32, #tpu.memory_space<vmem>>, %arg2: memref<1x2048x64xf32, #tpu.memory_space<vmem>>, %arg3: memref<2048x2048xbf16, #tpu.memory_space<vmem>>, %arg4: memref<1x1x2048xf32, #tpu.memory_space<vmem>>) attributes {dimension_semantics = [#tpu.dimension_semantics<arbitrary>], iteration_bounds = array<i64: 24>, scalar_prefetch = 0 : i64, scratch_operands = 0 : i64, tpu.core_type = #tpu.core_type<tc>, window_params = [{transform_indices = @transform_0, window_bounds = array<i64: 1, 2048, 64>}, {transform_indices = @transform_1, window_bounds = array<i64: 1, 2048, 64>}, {pipeline_mode = #tpu.pipeline_mode<synchronous>, transform_indices = @transform_2, window_bounds = array<i64: 2048, 2048>}, {transform_indices = @transform_3, window_bounds = array<i64: 1, 1, 2048>}]} {
    %get3A = arith.constant 0 : index
    %get3A_0 = arith.constant 0 : index
    %get3A_1 = arith.constant 0 : index
    %get3A_2 = vector.load %arg1[%get3A, %get3A_0, %get3A_1] : memref<1x2048x64xf32, #tpu.memory_space<vmem>>, vector<1x2048x64xf32>
    %get3A_3 = vector.shape_cast %get3A_2 : vector<1x2048x64xf32> to vector<2048x64xf32>
    %convert_element_type3A = arith.truncf %get3A_3 : vector<2048x64xf32> to vector<2048x64xbf16>
    %broadcast_in_dim3A = arith.constant -3.000000e+38 : f32
    %broadcast_in_dim3A_4 = vector.broadcast %broadcast_in_dim3A : f32 to vector<1x2048xf32>
    %broadcast_in_dim3A_5 = arith.constant 0.000000e+00 : f32
    %broadcast_in_dim3A_6 = vector.broadcast %broadcast_in_dim3A_5 : f32 to vector<1x2048xf32>
    %scan3A = arith.constant 0 : i32
    %scan3A_7 = arith.constant 4 : i32
    %scan3A_8 = arith.addi %scan3A, %scan3A_7 : i32
    %scan3A_9 = arith.constant 1 : i32
    %scan3A_10:2 = scf.for %scan3A_19 = %scan3A to %scan3A_8 step %scan3A_9 iter_args(%scan3A_20 = %broadcast_in_dim3A_4, %scan3A_21 = %broadcast_in_dim3A_6) -> (vector<1x2048xf32>, vector<1x2048xf32>)  : i32 {
      %mul3A_22 = arith.constant 512 : i32
      %mul3A_23 = arith.muli %scan3A_19, %mul3A_22 : i32
      %get3A_24 = arith.constant 0 : index
      %get3A_25 = arith.index_cast %mul3A_23 : i32 to index
      %get3A_26 = arith.constant 0 : index
      %get3A_27 = vector.load %arg2[%get3A_24, %get3A_25, %get3A_26] : memref<1x2048x64xf32, #tpu.memory_space<vmem>>, vector<1x512x64xf32>
      %get3A_28 = vector.shape_cast %get3A_27 : vector<1x512x64xf32> to vector<512x64xf32>
      %convert_element_type3A_29 = arith.truncf %get3A_28 : vector<512x64xf32> to vector<512x64xbf16>
      %dot_general3A = arith.constant dense<0.000000e+00> : vector<512x2048xf32>
      %dot_general3A_30 = tpu.matmul %convert_element_type3A_29, %convert_element_type3A, %dot_general3A {dimension_numbers = #tpu.dot_dimension_numbers<[1], [1], [0], [0], [0, 0, 1, 0], [], []>, transpose_lhs_hint = false} : vector<512x64xbf16>, vector<2048x64xbf16>, vector<512x2048xf32> -> vector<512x2048xf32>
      %mul3A_31 = arith.constant 512 : i32
      %mul3A_32 = arith.muli %scan3A_19, %mul3A_31 : i32
      %get3A_33 = arith.index_cast %mul3A_32 : i32 to index
      %get3A_34 = arith.constant 0 : index
      %get3A_35 = vector.load %arg3[%get3A_33, %get3A_34] : memref<2048x2048xbf16, #tpu.memory_space<vmem>>, vector<512x2048xbf16>
      %convert_element_type3A_36 = arith.extf %get3A_35 : vector<512x2048xbf16> to vector<512x2048xf32>
      %gt3A = arith.constant 0.000000e+00 : f32
      %gt3A_37 = vector.broadcast %gt3A : f32 to vector<512x2048xf32>
      %gt3A_38 = arith.cmpf ogt, %convert_element_type3A_36, %gt3A_37 : vector<512x2048xf32>
      %jit3A = arith.constant -3.000000e+38 : f32
      %broadcast_in_dim3A_39 = vector.broadcast %jit3A : f32 to vector<512x2048xf32>
      %select_n3A = arith.select %gt3A_38, %dot_general3A_30, %broadcast_in_dim3A_39 : vector<512x2048xi1>, vector<512x2048xf32>
      %reduce_max3A = arith.constant dense<0xFF800000> : vector<2048xf32>
      %reduce_max3A_40 = vector.multi_reduction <maximumf>, %select_n3A, %reduce_max3A [0] : vector<512x2048xf32> to vector<2048xf32>
      %broadcast_in_dim3A_41 = vector.shape_cast %reduce_max3A_40 : vector<2048xf32> to vector<1x2048xf32>
      %max3A = arith.maximumf %scan3A_20, %broadcast_in_dim3A_41 : vector<1x2048xf32>
      %mul3A_42 = arith.mulf %dot_general3A_30, %convert_element_type3A_36 : vector<512x2048xf32>
      %reduce_sum3A = arith.constant dense<0.000000e+00> : vector<2048xf32>
      %reduce_sum3A_43 = vector.multi_reduction <add>, %mul3A_42, %reduce_sum3A [0] : vector<512x2048xf32> to vector<2048xf32>
      %broadcast_in_dim3A_44 = vector.shape_cast %reduce_sum3A_43 : vector<2048xf32> to vector<1x2048xf32>
      %add3A = arith.addf %scan3A_21, %broadcast_in_dim3A_44 : vector<1x2048xf32>
      scf.yield %max3A, %add3A : vector<1x2048xf32>, vector<1x2048xf32>
    }
    %scan3A_11 = arith.constant 4 : i32
    %mul3A = arith.constant 4.8828125E-4 : f32
    %mul3A_12 = vector.broadcast %mul3A : f32 to vector<1x2048xf32>
    %mul3A_13 = arith.mulf %scan3A_10#1, %mul3A_12 : vector<1x2048xf32>
    %sub3A = arith.subf %scan3A_10#0, %mul3A_13 : vector<1x2048xf32>
    %swap3A = arith.constant 0 : index
    %swap3A_14 = arith.constant 0 : index
    %swap3A_15 = arith.constant 0 : index
    %swap3A_16 = vector.load %arg4[%swap3A, %swap3A_14, %swap3A_15] : memref<1x1x2048xf32, #tpu.memory_space<vmem>>, vector<1x1x2048xf32>
    %swap3A_17 = vector.shape_cast %swap3A_16 : vector<1x1x2048xf32> to vector<1x2048xf32>
    %swap3A_18 = vector.shape_cast %sub3A : vector<1x2048xf32> to vector<1x1x2048xf32>
    tpu.vector_store %arg4[%swap3A, %swap3A_14, %swap3A_15], %swap3A_18 {strides = array<i32>} : memref<1x1x2048xf32, #tpu.memory_space<vmem>>, vector<1x1x2048xf32>,
    return
  }
  func.func @transform_0(%arg0: i32) -> (i32, i32, i32) {
    %c0_i32 = arith.constant 0 : i32
    %c0_i32_0 = arith.constant 0 : i32
    %c0_i32_1 = arith.constant 0 : i32
    return %arg0, %c0_i32, %c0_i32_0 : i32, i32, i32
  }
  func.func @transform_1(%arg0: i32) -> (i32, i32, i32) {
    %c0_i32 = arith.constant 0 : i32
    %c0_i32_0 = arith.constant 0 : i32
    %c0_i32_1 = arith.constant 0 : i32
    return %arg0, %c0_i32, %c0_i32_0 : i32, i32, i32
  }
  func.func @transform_2(%arg0: i32) -> (i32, i32) {
    %c0_i32 = arith.constant 0 : i32
    %c0_i32_0 = arith.constant 0 : i32
    %c0_i32_1 = arith.constant 0 : i32
    return %c0_i32, %c0_i32_0 : i32, i32
  }
  func.func @transform_3(%arg0: i32) -> (i32, i32, i32) {
    %c0_i32 = arith.constant 0 : i32
    %c0_i32_0 = arith.constant 0 : i32
    %c0_i32_1 = arith.constant 0 : i32
    return %arg0, %c0_i32, %c0_i32_0 : i32, i32, i32
  }
}

module attributes {stable_mosaic.version = 14 : i64} {
  func.func @_topk_body(%arg0: memref<24x1x2048xf32, #tpu.memory_space<vmem>>, %arg1: memref<24x1x40xi32, #tpu.memory_space<vmem>>) attributes {dimension_semantics = [], scalar_prefetch = 0 : i64, scratch_operands = 0 : i64, tpu.core_type = #tpu.core_type<tc>} {
    %get3A = arith.constant 0 : index
    %get3A_0 = arith.constant 0 : index
    %get3A_1 = arith.constant 0 : index
    %get3A_2 = vector.load %arg0[%get3A, %get3A_0, %get3A_1] : memref<24x1x2048xf32, #tpu.memory_space<vmem>>, vector<24x1x2048xf32>
    %get3A_3 = vector.shape_cast %get3A_2 : vector<24x1x2048xf32> to vector<24x2048xf32>
    %iota3A = tpu.iota {dimensions = array<i32: 1>} : vector<24x2048xi32>
    %iota3A_4 = tpu.iota {dimensions = array<i32: 1>} : vector<24x40xi32>
    %broadcast_in_dim3A = arith.constant 0 : i32
    %broadcast_in_dim3A_5 = vector.broadcast %broadcast_in_dim3A : i32 to vector<24x40xi32>
    %scan3A = arith.constant 0 : i32
    %scan3A_6 = arith.constant 40 : i32
    %scan3A_7 = arith.addi %scan3A, %scan3A_6 : i32
    %scan3A_8 = arith.constant 1 : i32
    %scan3A_9:2 = scf.for %scan3A_16 = %scan3A to %scan3A_7 step %scan3A_8 iter_args(%scan3A_17 = %get3A_3, %scan3A_18 = %broadcast_in_dim3A_5) -> (vector<24x2048xf32>, vector<24x40xi32>)  : i32 {
      %reduce_max3A = arith.constant dense<0xFF800000> : vector<24xf32>
      %reduce_max3A_19 = vector.multi_reduction <maximumf>, %scan3A_17, %reduce_max3A [1] : vector<24x2048xf32> to vector<24xf32>
      %broadcast_in_dim3A_20 = vector.shape_cast %reduce_max3A_19 : vector<24xf32> to vector<24x1xf32>
      %eq3A = vector.broadcast %broadcast_in_dim3A_20 : vector<24x1xf32> to vector<24x2048xf32>
      %eq3A_21 = arith.cmpf oeq, %scan3A_17, %eq3A : vector<24x2048xf32>
      %jit3A = arith.constant 1073741824 : i32
      %broadcast_in_dim3A_22 = vector.broadcast %jit3A : i32 to vector<24x2048xi32>
      %select_n3A = arith.select %eq3A_21, %iota3A, %broadcast_in_dim3A_22 : vector<24x2048xi1>, vector<24x2048xi32>
      %reduce_min3A = arith.constant dense<2147483647> : vector<24xi32>
      %reduce_min3A_23 = vector.multi_reduction <minsi>, %select_n3A, %reduce_min3A [1] : vector<24x2048xi32> to vector<24xi32>
      %broadcast_in_dim3A_24 = vector.shape_cast %reduce_min3A_23 : vector<24xi32> to vector<24x1xi32>
      %eq3A_25 = vector.broadcast %scan3A_16 : i32 to vector<24x40xi32>
      %eq3A_26 = arith.cmpi eq, %iota3A_4, %eq3A_25 : vector<24x40xi32>
      %broadcast_in_dim3A_27 = vector.shape_cast %broadcast_in_dim3A_24 : vector<24x1xi32> to vector<24x1xi32>
      %broadcast_in_dim3A_28 = vector.broadcast %broadcast_in_dim3A_27 : vector<24x1xi32> to vector<24x40xi32>
      %select_n3A_29 = arith.select %eq3A_26, %broadcast_in_dim3A_28, %scan3A_18 : vector<24x40xi1>, vector<24x40xi32>
      %eq3A_30 = vector.broadcast %broadcast_in_dim3A_24 : vector<24x1xi32> to vector<24x2048xi32>
      %eq3A_31 = arith.cmpi eq, %iota3A, %eq3A_30 : vector<24x2048xi32>
      %jit3A_32 = arith.constant -3.000000e+38 : f32
      %broadcast_in_dim3A_33 = vector.broadcast %jit3A_32 : f32 to vector<24x2048xf32>
      %select_n3A_34 = arith.select %eq3A_31, %broadcast_in_dim3A_33, %scan3A_17 : vector<24x2048xi1>, vector<24x2048xf32>
      scf.yield %select_n3A_34, %select_n3A_29 : vector<24x2048xf32>, vector<24x40xi32>
    }
    %scan3A_10 = arith.constant 40 : i32
    %swap3A = arith.constant 0 : index
    %swap3A_11 = arith.constant 0 : index
    %swap3A_12 = arith.constant 0 : index
    %swap3A_13 = vector.load %arg1[%swap3A, %swap3A_11, %swap3A_12] : memref<24x1x40xi32, #tpu.memory_space<vmem>>, vector<24x1x40xi32>
    %swap3A_14 = vector.shape_cast %swap3A_13 : vector<24x1x40xi32> to vector<24x40xi32>
    %swap3A_15 = vector.shape_cast %scan3A_9#1 : vector<24x40xi32> to vector<24x1x40xi32>
    tpu.vector_store %arg1[%swap3A, %swap3A_11, %swap3A_12], %swap3A_15 {strides = array<i32>} : memref<24x1x40xi32, #tpu.memory_space<vmem>>, vector<24x1x40xi32>,
    return
  }
}

module attributes {stable_mosaic.version = 14 : i64} {
  func.func @_ctx_body(%arg0: i32, %arg1: memref<1x2048x64xf32, #tpu.memory_space<vmem>>, %arg2: memref<1x2048x64xf32, #tpu.memory_space<vmem>>, %arg3: memref<1x2048x64xf32, #tpu.memory_space<vmem>>, %arg4: memref<1x1x40xi32, #tpu.memory_space<vmem>>, %arg5: memref<1x2048x64xf32, #tpu.memory_space<vmem>>) attributes {dimension_semantics = [#tpu.dimension_semantics<arbitrary>], iteration_bounds = array<i64: 24>, scalar_prefetch = 0 : i64, scratch_operands = 0 : i64, tpu.core_type = #tpu.core_type<tc>, window_params = [{transform_indices = @transform_0, window_bounds = array<i64: 1, 2048, 64>}, {transform_indices = @transform_1, window_bounds = array<i64: 1, 2048, 64>}, {transform_indices = @transform_2, window_bounds = array<i64: 1, 2048, 64>}, {transform_indices = @transform_3, window_bounds = array<i64: 1, 1, 40>}, {transform_indices = @transform_4, window_bounds = array<i64: 1, 2048, 64>}]} {
    %get3A = arith.constant 0 : index
    %get3A_0 = arith.constant 0 : index
    %get3A_1 = arith.constant 0 : index
    %get3A_2 = vector.load %arg2[%get3A, %get3A_0, %get3A_1] : memref<1x2048x64xf32, #tpu.memory_space<vmem>>, vector<1x2048x64xf32>
    %get3A_3 = vector.shape_cast %get3A_2 : vector<1x2048x64xf32> to vector<2048x64xf32>
    %convert_element_type3A = arith.truncf %get3A_3 : vector<2048x64xf32> to vector<2048x64xbf16>
    %get3A_4 = arith.constant 0 : index
    %get3A_5 = arith.constant 0 : index
    %get3A_6 = arith.constant 0 : index
    %get3A_7 = vector.load %arg3[%get3A_4, %get3A_5, %get3A_6] : memref<1x2048x64xf32, #tpu.memory_space<vmem>>, vector<1x2048x64xf32>
    %get3A_8 = vector.shape_cast %get3A_7 : vector<1x2048x64xf32> to vector<2048x64xf32>
    %get3A_9 = arith.constant 0 : index
    %get3A_10 = arith.constant 0 : index
    %get3A_11 = arith.constant 0 : index
    %get3A_12 = vector.load %arg4[%get3A_9, %get3A_10, %get3A_11] : memref<1x1x40xi32, #tpu.memory_space<vmem>>, vector<1x1x40xi32>
    %get3A_13 = vector.shape_cast %get3A_12 : vector<1x1x40xi32> to vector<1x40xi32>
    %iota3A = tpu.iota {dimensions = array<i32: 1>} : vector<40x2048xi32>
    %transpose3A = tpu.transpose %get3A_13, [1, 0] : vector<1x40xi32> -> vector<40x1xi32>
    %eq3A = vector.broadcast %transpose3A : vector<40x1xi32> to vector<40x2048xi32>
    %eq3A_14 = arith.cmpi eq, %eq3A, %iota3A : vector<40x2048xi32>
    %convert_element_type3A_15 = arith.extui %eq3A_14 : vector<40x2048xi1> to vector<40x2048xi32>
    %convert_element_type3A_16 = arith.sitofp %convert_element_type3A_15 : vector<40x2048xi32> to vector<40x2048xf32>
    %get3A_17 = arith.constant 0 : index
    %get3A_18 = arith.constant 0 : index
    %get3A_19 = arith.constant 0 : index
    %get3A_20 = vector.load %arg1[%get3A_17, %get3A_18, %get3A_19] : memref<1x2048x64xf32, #tpu.memory_space<vmem>>, vector<1x2048x64xf32>
    %get3A_21 = vector.shape_cast %get3A_20 : vector<1x2048x64xf32> to vector<2048x64xf32>
    %dot_general3A = arith.constant dense<0.000000e+00> : vector<40x64xf32>
    %dot_general3A_22 = tpu.matmul %convert_element_type3A_16, %get3A_21, %dot_general3A {dimension_numbers = #tpu.dot_dimension_numbers<[1], [0], [0], [1], [0, 0, 1, 1], [], []>, precision = #tpu.contract_precision<fp32>, transpose_lhs_hint = false} : vector<40x2048xf32>, vector<2048x64xf32>, vector<40x64xf32> -> vector<40x64xf32>
    %convert_element_type3A_23 = arith.truncf %dot_general3A_22 : vector<40x64xf32> to vector<40x64xbf16>
    %dot_general3A_24 = arith.constant dense<0.000000e+00> : vector<40x2048xf32>
    %dot_general3A_25 = tpu.matmul %convert_element_type3A_23, %convert_element_type3A, %dot_general3A_24 {dimension_numbers = #tpu.dot_dimension_numbers<[1], [1], [0], [0], [0, 0, 1, 0], [], []>, transpose_lhs_hint = false} : vector<40x64xbf16>, vector<2048x64xbf16>, vector<40x2048xf32> -> vector<40x2048xf32>
    %mul3A = arith.constant 1.250000e-01 : f32
    %mul3A_26 = vector.broadcast %mul3A : f32 to vector<40x2048xf32>
    %mul3A_27 = arith.mulf %dot_general3A_25, %mul3A_26 : vector<40x2048xf32>
    %reduce_max3A = arith.constant dense<0xFF800000> : vector<40xf32>
    %reduce_max3A_28 = vector.multi_reduction <maximumf>, %mul3A_27, %reduce_max3A [1] : vector<40x2048xf32> to vector<40xf32>
    %broadcast_in_dim3A = vector.shape_cast %reduce_max3A_28 : vector<40xf32> to vector<40x1xf32>
    %sub3A = vector.broadcast %broadcast_in_dim3A : vector<40x1xf32> to vector<40x2048xf32>
    %sub3A_29 = arith.subf %mul3A_27, %sub3A : vector<40x2048xf32>
    %exp3A = math.exp %sub3A_29 : vector<40x2048xf32>
    %reduce_sum3A = arith.constant dense<0.000000e+00> : vector<40xf32>
    %reduce_sum3A_30 = vector.multi_reduction <add>, %exp3A, %reduce_sum3A [1] : vector<40x2048xf32> to vector<40xf32>
    %broadcast_in_dim3A_31 = vector.shape_cast %reduce_sum3A_30 : vector<40xf32> to vector<40x1xf32>
    %div3A = vector.broadcast %broadcast_in_dim3A_31 : vector<40x1xf32> to vector<40x2048xf32>
    %div3A_32 = arith.divf %exp3A, %div3A : vector<40x2048xf32>
    %convert_element_type3A_33 = arith.truncf %div3A_32 : vector<40x2048xf32> to vector<40x2048xbf16>
    %convert_element_type3A_34 = arith.truncf %get3A_8 : vector<2048x64xf32> to vector<2048x64xbf16>
    %dot_general3A_35 = arith.constant dense<0.000000e+00> : vector<40x64xf32>
    %dot_general3A_36 = tpu.matmul %convert_element_type3A_33, %convert_element_type3A_34, %dot_general3A_35 {dimension_numbers = #tpu.dot_dimension_numbers<[1], [0], [0], [1], [0, 0, 1, 1], [], []>, transpose_lhs_hint = false} : vector<40x2048xbf16>, vector<2048x64xbf16>, vector<40x64xf32> -> vector<40x64xf32>
    %dot_general3A_37 = arith.constant dense<0.000000e+00> : vector<2048x64xf32>
    %dot_general3A_38 = tpu.matmul %convert_element_type3A_16, %dot_general3A_36, %dot_general3A_37 {dimension_numbers = #tpu.dot_dimension_numbers<[0], [0], [1], [1], [0, 1, 1, 1], [], []>, precision = #tpu.contract_precision<fp32>, transpose_lhs_hint = false} : vector<40x2048xf32>, vector<40x64xf32>, vector<2048x64xf32> -> vector<2048x64xf32>
    %reduce_sum3A_39 = arith.constant dense<0.000000e+00> : vector<2048xf32>
    %reduce_sum3A_40 = vector.multi_reduction <add>, %convert_element_type3A_16, %reduce_sum3A_39 [0] : vector<40x2048xf32> to vector<2048xf32>
    %broadcast_in_dim3A_41 = vector.shape_cast %reduce_sum3A_40 : vector<2048xf32> to vector<2048x1xf32>
    %reduce_sum3A_42 = arith.constant dense<0.000000e+00> : vector<64xf32>
    %reduce_sum3A_43 = vector.multi_reduction <add>, %get3A_8, %reduce_sum3A_42 [0] : vector<2048x64xf32> to vector<64xf32>
    %broadcast_in_dim3A_44 = vector.shape_cast %reduce_sum3A_43 : vector<64xf32> to vector<1x64xf32>
    %div3A_45 = arith.constant 2.048000e+03 : f32
    %div3A_46 = vector.broadcast %div3A_45 : f32 to vector<1x64xf32>
    %div3A_47 = arith.divf %broadcast_in_dim3A_44, %div3A_46 : vector<1x64xf32>
    %sub3A_48 = arith.constant 1.000000e+00 : f32
    %sub3A_49 = vector.broadcast %sub3A_48 : f32 to vector<2048x1xf32>
    %sub3A_50 = arith.subf %sub3A_49, %broadcast_in_dim3A_41 : vector<2048x1xf32>
    %mul3A_51 = vector.broadcast %sub3A_50 : vector<2048x1xf32> to vector<2048x64xf32>
    %mul3A_52 = vector.broadcast %div3A_47 : vector<1x64xf32> to vector<2048x64xf32>
    %mul3A_53 = arith.mulf %mul3A_51, %mul3A_52 : vector<2048x64xf32>
    %add3A = arith.addf %dot_general3A_38, %mul3A_53 : vector<2048x64xf32>
    %swap3A = arith.constant 0 : index
    %swap3A_54 = arith.constant 0 : index
    %swap3A_55 = arith.constant 0 : index
    %swap3A_56 = vector.load %arg5[%swap3A, %swap3A_54, %swap3A_55] : memref<1x2048x64xf32, #tpu.memory_space<vmem>>, vector<1x2048x64xf32>
    %swap3A_57 = vector.shape_cast %swap3A_56 : vector<1x2048x64xf32> to vector<2048x64xf32>
    %swap3A_58 = vector.shape_cast %add3A : vector<2048x64xf32> to vector<1x2048x64xf32>
    tpu.vector_store %arg5[%swap3A, %swap3A_54, %swap3A_55], %swap3A_58 {strides = array<i32>} : memref<1x2048x64xf32, #tpu.memory_space<vmem>>, vector<1x2048x64xf32>,
    return
  }
  func.func @transform_0(%arg0: i32) -> (i32, i32, i32) {
    %c0_i32 = arith.constant 0 : i32
    %c0_i32_0 = arith.constant 0 : i32
    %c0_i32_1 = arith.constant 0 : i32
    return %arg0, %c0_i32, %c0_i32_0 : i32, i32, i32
  }
  func.func @transform_1(%arg0: i32) -> (i32, i32, i32) {
    %c0_i32 = arith.constant 0 : i32
    %c0_i32_0 = arith.constant 0 : i32
    %c0_i32_1 = arith.constant 0 : i32
    return %arg0, %c0_i32, %c0_i32_0 : i32, i32, i32
  }
  func.func @transform_2(%arg0: i32) -> (i32, i32, i32) {
    %c0_i32 = arith.constant 0 : i32
    %c0_i32_0 = arith.constant 0 : i32
    %c0_i32_1 = arith.constant 0 : i32
    return %arg0, %c0_i32, %c0_i32_0 : i32, i32, i32
  }
  func.func @transform_3(%arg0: i32) -> (i32, i32, i32) {
    %c0_i32 = arith.constant 0 : i32
    %c0_i32_0 = arith.constant 0 : i32
    %c0_i32_1 = arith.constant 0 : i32
    return %arg0, %c0_i32, %c0_i32_0 : i32, i32, i32
  }
  func.func @transform_4(%arg0: i32) -> (i32, i32, i32) {
    %c0_i32 = arith.constant 0 : i32
    %c0_i32_0 = arith.constant 0 : i32
    %c0_i32_1 = arith.constant 0 : i32
    return %arg0, %c0_i32, %c0_i32_0 : i32, i32, i32
  }
}

</mosaic_0001>

<sc_bundles>
// kernel: scatter_offload_async_start
scs
__scs_entry_jumppad:
0x0: {  	(pc) =	sbr.rel $0x88, $3  }
0x1: {  	(tag) =	ssettag $0x0;
	lr =	simm.s32 $0x1  }
0x2: {  	[smem:$0x3F9E] =	sst lr;
	_ =	strace $0xD0000000  }
0x3: {  	_ = 	snop  }
0x4: {  	_ = 	snop  }
0x5: {  	_ = 	snop  }
0x6: {  	_ = 	snop  }
0x7: {  	_ = 	snop  }
__scs_overlays_trampoline_lowered:
0x8: {  	[smem:$0x3FAD] =	sst s0  }
0x9: {  	[smem:$0x3FAE] =	sst s1  }
0xa: {  	[smem:$0x3FAF] =	sst s2  }
0xb: {  	[smem:$0x3FB0] =	sst s3  }
0xc: {  	[smem:$0x3FB1] =	sst s4  }
0xd: {  	[smem:$0x3FB2] =	sst s5  }
0xe: {  	[smem:$0x3FB3] =	sst s6  }
0xf: {  	[smem:$0x3FB4] =	sst s7  }
0x10: {  	[smem:$0x3FB5] =	sst s8  }
0x11: {  	[smem:$0x3FB6] =	sst s9;
	s0 =	simm.s32 @!p0 $0x0  }
0x12: {  	s1 =	sld [smem:$0x3F9C];
	s0 =	simm.s32 @p0 $0x1  }
0x13: {  	[smem:$0x3FB7] =	sst s0;
	s0 =	simm.s32 @!p1 $0x0  }
0x14: {  	s2 =	sld [smem:$0x3F9B];
	s0 =	simm.s32 @p1 $0x1  }
0x15: {  	[smem:$0x3FB8] =	sst s0;
	s0 =	simm.s32 @!p2 $0x0  }
0x16: {  	s3 =	sld [smem:$0x3FDB];
	s0 =	simm.s32 @p2 $0x1  }
0x17: {  	s4 =	simm.s32 $0x1BF5;
	[smem:$0x3FBA] =	sst s0  }
0x18: {  	s0 =	sld [smem:$0x3F9D];
	_ =	swait.ge [sflag:s4], $0x0  }
0x19: {  	s7 =	sld [smem:$0x3F9E]  }
0x1a: {  	s8 =	sadd.s32 $0xFFFFE003, lr  }
0x1b: {  	s9 =	sadd.s32 $0xFFFFFEF7, lr;
	s5 =	simm.s32 $0xFFFFFFFF;
	p2 =	slt.u32 s8, $0xFFFFF086  }
0x1c: {  	p1 =	slt.u32 s9, $0xF7A;
	s5 =	simm.s32 @!p2 $0x0  }
0x1d: {  	s5 =	simm.s32 @p1 $0x1;
	p0 =	seq.s32 s7, s2  }
0x1e: {  	s7 =	smul.u32 @!p0 $0xF7A, s2;
	p2 =	seq.s32 @!p0 s5, $0x0  }
0x1f: {  	s9 =	smul.u32 $0xF7A, s1;
	s8 =	simm.s32 @!p0 $0x1BF5;
	p2 =	por !p2, p0  }
0x20: {  	[sflag:s8] =	ssyncset.s32 @!p0 $0xFFFFF086;
	s6 =	sadd.s32 @!p0 s3, s7;
	s7 =	simm.s32 @!p0 $0x108  }
0x21: {  	s3 =	sadd.s32 s3, s9;
	s6 =	sadd.s32 @!p0 $0x88, s6;
	s7 =	simm.s32 @p2 $0x1082  }
0x22: {  	[simem:s7], [sflag:s8] =	dma.local @!p0 [hbm:s6], $0xF7A  }
0x23: {  	s9 =	sor.u32 $0xD0000000, s2;
	s6 =	simm.s32 $0x108;
	_ =	swait.ge @!p0 [sflag:s8], $0x0  }
0x24: {  	s3 =	sadd.s32 $0x88, s3;
	s6 =	simm.s32 @!p1 $0x1082;
	[sflag:s4] =	ssyncset.s32 $0xFFFFF086  }
0x25: {  	[simem:s6], [sflag:s4] =	dma.local [hbm:s3], $0xF7A  }
0x26: {  	[smem:$0x3F9E] =	sst s1;
	(tag) =	ssettag s2;
	_ =	strace s9  }
0x27: {  	s1 =	sld [smem:$0x3FAE]  }
0x28: {  	s2 =	sld [smem:$0x3FAF]  }
0x29: {  	s4 =	sld [smem:$0x3FB1]  }
0x2a: {  	p0 =	seq.s32 s5, $0x0;
	s5 =	sld [smem:$0x3FB2]  }
0x2b: {  	s6 =	sld [smem:$0x3FB3]  }
0x2c: {  	s7 =	sld [smem:$0x3FB4]  }
0x2d: {  	s3 =	simm.s32 $0x108;
	s8 =	sld [smem:$0x3FB5]  }
0x2e: {  	s3 =	simm.s32 @!p0 $0x1082;
	s9 =	sld [smem:$0x3FB6]  }
0x2f: {  	lr =	sadd.s32 s0, s3;
	s0 =	sld [smem:$0x3FAD]  }
0x30: {  	s3 =	sld [smem:$0x3FB0]  }
0x31: {  	[smem:$0x3FB9] =	sst s10  }
0x32: {  	s10 =	sld [smem:$0x3FB7];
	_ =	sdelay $0x3  }
0x33: {  	p0 =	seq.s32 s10, $0x1;
	s10 =	sld [smem:$0x3FB9];
	_ =	sdelay $0x3  }
0x34: {  	[smem:$0x3FB9] =	sst s10  }
0x35: {  	s10 =	sld [smem:$0x3FB8];
	_ =	sdelay $0x3  }
0x36: {  	p1 =	seq.s32 s10, $0x1;
	s10 =	sld [smem:$0x3FB9];
	_ =	sdelay $0x3  }
0x37: {  	[smem:$0x3FB9] =	sst s10  }
0x38: {  	s10 =	sld [smem:$0x3FBA]  }
0x39: {  	_ = 	snop;
	(pc) =	sbr.ind lr, $3  }
0x3a: {  	_ = 	snop  }
0x3b: {  	_ = 	snop  }
0x3c: {  	p2 =	seq.s32 s10, $0x1;
	s10 =	sld [smem:$0x3FB9]  }
0x3d: {  	_ =	shalt  }
0x3e: {  	_ =	shalt  }
0x3f: {  	_ =	shalt  }
0x40: {  	_ =	shalt  }
0x41: {  	_ =	shalt  }
0x42: {  	_ =	shalt  }
0x43: {  	_ =	shalt  }
0x44: {  	_ =	shalt  }
0x45: {  	_ =	shalt  }
0x46: {  	_ =	shalt  }
0x47: {  	_ =	shalt  }
0x48: {  	_ =	shalt  }
0x49: {  	_ =	shalt  }
0x4a: {  	_ =	shalt  }
0x4b: {  	_ =	shalt  }
0x4c: {  	_ =	shalt  }
0x4d: {  	_ =	shalt  }
0x4e: {  	_ =	shalt  }
0x4f: {  	_ =	shalt  }
0x50: {  	_ =	shalt  }
0x51: {  	_ =	shalt  }
0x52: {  	_ =	shalt  }
0x53: {  	_ =	shalt  }
0x54: {  	_ =	shalt  }
0x55: {  	_ =	shalt  }
0x56: {  	_ =	shalt  }
0x57: {  	_ =	shalt  }
0x58: {  	_ =	shalt  }
0x59: {  	_ =	shalt  }
0x5a: {  	_ =	shalt  }
0x5b: {  	_ =	shalt  }
0x5c: {  	_ =	shalt  }
0x5d: {  	_ =	shalt  }
0x5e: {  	_ =	shalt  }
0x5f: {  	_ =	shalt  }
0x60: {  	_ =	shalt  }
0x61: {  	_ =	shalt  }
0x62: {  	_ =	shalt  }
0x63: {  	_ =	shalt  }
0x64: {  	_ =	shalt  }
0x65: {  	_ =	shalt  }
0x66: {  	_ =	shalt  }
0x67: {  	_ =	shalt  }
0x68: {  	_ =	shalt  }
0x69: {  	_ =	shalt  }
0x6a: {  	_ =	shalt  }
0x6b: {  	_ =	shalt  }
0x6c: {  	_ =	shalt  }
0x6d: {  	_ =	shalt  }
0x6e: {  	_ =	shalt  }
0x6f: {  	_ =	shalt  }
0x70: {  	_ =	shalt  }
0x71: {  	_ =	shalt  }
0x72: {  	_ =	shalt  }
0x73: {  	_ =	shalt  }
0x74: {  	_ =	shalt  }
0x75: {  	_ =	shalt  }
0x76: {  	_ =	shalt  }
0x77: {  	_ =	shalt  }
0x78: {  	_ =	shalt  }
0x79: {  	_ =	shalt  }
0x7a: {  	_ =	shalt  }
0x7b: {  	_ =	shalt  }
0x7c: {  	_ =	shalt  }
0x7d: {  	_ =	shalt  }
0x7e: {  	_ =	shalt  }
0x7f: {  	_ =	shalt  }
0x80: {  	_ =	shalt  }
0x81: {  	_ =	shalt  }
0x82: {  	_ =	shalt  }
0x83: {  	_ =	shalt  }
0x84: {  	_ =	shalt  }
0x85: {  	_ =	shalt  }
0x86: {  	_ =	shalt  }
0x87: {  	_ =	shalt  }
.Lfunc_end0:
.L_simem_size_0:
called_computation_lowered:
.L_overlay_start_0:
0x88: {  	s0 =	sld [smem:$0x3FD9]  }
0x89: {  	s1 =	sld [smem:$0x3FFE];
	_ =	sdelay $0x3  }
0x8a: {  	s0 =	sadd.s32 s1, s0  }
0x8b: {  	[smem:$0x3FC5] =	sst s0  }
0x8c: {  	_ = 	snop  }
0x8d: {  	s0 =	sld [smem:$0x3FD0];
	(tm) =	ssettm $0x1  }
0x8e: {  	s16 =	sld [smem:$0x3FFB];
	_ =	sdelay $0x3  }
0x8f: {  	_ =	strace s16  }
0x90: {  	s1 =	sld [smem:$0x3FFC];
	_ =	sdelay $0x3  }
0x91: {  	_ =	strace s1  }
0x92: {  	s1 =	sld [smem:$0x3FFD];
	_ =	sdelay $0x3  }
0x93: {  	_ =	strace s1  }
0x94: {  	_ =	strace $0x8FFFFFFF  }
0x95: {  	s17 =	sld [smem:$0x3FDB];
	_ =	sdelay $0x1  }
0x96: {  	s2 =	simm.s32 $_scs_section_size  }
0x97: {  	s3 =	simm.s32 $_size__tile_overlayer_lowered;
	s4 =	simm.s32 $_tile_overlayer_lowered  }
0x98: {  	s20 =	simm.s32 $0x1BFF;
	s19 =	sshll.u32 s4, $0x1;
	s1 =	sadd.s32 s2, s17  }
0x99: {  	s5 =	simm.s32 $0x0;
	s18 =	sshll.u32 s3, $0x1;
	s3 =	sadd.s32 s19, s1  }
0x9a: {  	[timem:s5], [sflag:s20] =	dma.local [hbm:s3], s18  }
0x9b: {  	_ =	swait.ge [sflag:s20], s18  }
0x9c: {  	s2 =	ssub.s32 $0x0, s18;
	[sflag:s20] =	ssyncset.done $0x0  }
0x9d: {  	[sflag:s20] =	ssyncadd.s32 s2;
	_ =	sdelay $0x1  }
0x9e: {  	s21 =	simm.s32 $0x1B8B  }
0x9f: {  	_ =	swait.ge [sflag:s21], $0x1  }
0xa0: {  	[sflag:s21] =	ssyncset.done $0x0  }
0xa1: {  	s23 =	simm.s32 $0x1B8E;
	s22 =	sld [smem:$0x3FFE];
	[sflag:s21] =	ssyncadd.s32 $0xFFFFFFFF  }
0xa2: {  	s24 =	simm.s32 $execute0_lowered;
	[smem:$0x3FD2] =	sst s23  }
0xa3: {  	s3 =	sshll.u32 s24, $0x1;
	_ =	strace $0x80000046;
	[dreg:$0x1] =	wrdreg $0xFFFFFFFF  }
0xa4: {  	s25 =	simm.s32 $_size_execute0_lowered;
	s1 =	sadd.s32 s1, s3;
	[dreg:$0x0] =	wrdreg $0x0  }
0xa5: {  	s3 =	sshll.u32 s25, $0x1;
	[dreg:$0x2] =	wrdreg s1  }
0xa6: {  	[dreg:$0x3] =	wrdreg s3  }
0xa7: {  	[dreg:$0x4] =	wrdreg $0xC0  }
0xa8: {  	_ =	task [dreg:s5], $0x5FFFF  }
0xa9: {  	[dreg:$0x1] =	wrdreg $0xFFFFFFFF  }
0xaa: {  	[dreg:$0x0] =	wrdreg $0x60  }
0xab: {  	[dreg:$0x2] =	wrdreg s22  }
0xac: {  	[dreg:$0x3] =	wrdreg s0  }
0xad: {  	[dreg:$0x4] =	wrdreg $0x9  }
0xae: {  	_ =	task.clear_ibuf [dreg:s5], $0x5FFFF;
	_ =	strace $0x90000046  }
0xaf: {  	s26 =	simm.s32 $0x9;
	_ =	strace $0x80000048  }
0xb0: {  	_ =	swait.ge [sflag:s26], $0x1  }
0xb1: {  	[sflag:s26] =	ssyncadd.s32 $0xFFFFFFFF  }
0xb2: {  	_ =	strace $0x90000048  }
0xb3: {  	_ =	sfence  }
0xb4: {  	s28 =	sld [smem:$0x0];
	_ =	sdelay $0x1  }
0xb5: {  	s29 =	srdreg.scid  }
0xb6: {  	s30 =	sshll.u32 s29, $0xD;
	s31 =	sshrl.u32 s29, $0x2  }
0xb7: {  	s2 =	sand.u32 $0x4000, s30;
	s1 =	sand.u32 $0x1, s29;
	s0 =	sadd.s32 s31, s28  }
0xb8: {  	s1 =	sor.u32 s2, s1;
	s0 =	sshll.u32 s0, $0x11  }
0xb9: {  	s0 =	sor.u32 s0, s1  }
0xba: {  	s0 =	sadd.s32 $0x8F2B, s0  }
0xbb: {  	[sflag:s0] =	ssyncadd.remote.s32 $0x1  }
0xbc: {  	_ =	sfence.sel $0xFFFF  }
0xbd: {  	[dreg:$0x0] =	wrdreg $0xFFFFFFFF;
	(pc) =	sbr.abs _section_cstart, $3  }
0xbe: {  	[dreg:$0x1] =	wrdreg $0xFFFFFFFF  }
0xbf: {  	_ =	task.clear_ibuf [dreg:s5], $0x2FFFF;
	_ =	strace $0x9FFFFFFF  }
0xc0: {  	(tm) =	ssettm $0x7FFFFFFF  }
0xc1: {  	_ =	shalt  }
tec
execute0_lowered:
.L_overlay_start_1:
0x0: {  	(tag) =	ssettag $0x1  }
0x1: {  	s0 =	rddreg [dreg:$0x0];
	_ =	strace $0x80000047;
	s4 =	simm.s32 $0x1  }
0x2: {  	v1 =	vimm.s32 $0xFFFFFFFF;
	[sflag:s4] =	ssyncpa.u1 $0x0  }
0x3: {  	[tilespmem:$0x10] =	vst v1  }
0x4: {  	v0 =	vimm.f32 $0.0e+00;
	[tilespmem:$0x20] =	vst v1  }
0x5: {  	[tilespmem:$0x30] =	vst v0  }
0x6: {  	s2 =	simm.s32 $0x2;
	s26 =	stileid.u32;
	s5 =	simm.s32 $0x7;
	[tilespmem:$0x40] =	vst v0  }
0x7: {  	s7 =	simm.s32 $0x8;
	s31 =	simm.s32 $0x9;
	s14 =	simm.s32 $0x0;
	[tilespmem:$0x50] =	vst v0  }
0x8: {  	s15 =	simm.s32 $0x100;
	s17 =	simm.s32 $0x14FF;
	s18 =	simm.s32 $0x10;
	[tilespmem:$0x60] =	vst v1  }
0x9: {  	s19 =	simm.s32 $0xB500;
	s20 =	simm.s32 $0xF;
	s21 =	simm.s32 $0x50;
	[tilespmem:$0x70] =	vst v1  }
0xa: {  	s22 =	simm.s32 $0x50FF;
	s23 =	simm.s32 $0x20;
	s24 =	simm.s32 $0x30;
	[tilespmem:$0x80] =	vst v1  }
0xb: {  	s25 =	simm.s32 $0xA0FF;
	s30 =	simm.s32 $0x0;
	s6 =	smul.u32 $0x1400, s26;
	v1 =	vimm.s32 $0x0;
	[tilespmem:$0xB0] =	vst v0  }
.Ltmp0:
0xc: {  	s29 =	simm.s32 $0x0;
	s1 =	sadd.s32 $0x182800, s0;
	[tilespmem:$0x90] =	vst v1;
	(pc) =	sbr.rel .LBB2_1-.Ltmp0, $4  }
0xd: {  	s8 =	sadd.s32 $0x180000, s0;
	s10 =	sshll.u32 s26, $0x1;
	[tilespmem:$0xA0] =	vst v1;
	[sflag:s2] =	ssyncpa.u1 $0x0  }
0xe: {  	s12 =	sshllo.u32 s26, $0x1;
	s26 =	simm.s32 $0x80;
	[sflag:s5] =	ssyncpa.u1 $0x0  }
0xf: {  	vm0 =	vmmov $0xffff;
	v2 =	vlaneseq.u32;
	s11 =	sor.u32 $0x81, s10;
	s13 =	sor.u32 $0x80, s10;
	[sflag:s7] =	ssyncpa.u1 $0x0  }
0x10: {  	vm1 =	vmxor vm1, vm1;
	vm2 =	vmmov $0x1;
	vm3 =	vcmask $0x3F3C;
	s9 =	sadd.s32 $0x1400, s6;
	s28 =	smov.u32 s6;
	[sflag:s31] =	ssyncpa.u1 $0x0  }
.LBB2_3:
0x11: {  	s0 =	sshrl.u32 s28, $0x3;
	s2 =	rddreg [dreg:$0x1]  }
0x12: {  	s31 =	sand.u32 $0x7, s28;
	s0 =	sadd.s32 s2, s0  }
0x13: {  	[tilespmem:s15], [sflag:$0x7] =	stream.linear.gather [hbm4b:s0+s31], $0x1400, $0x38;
	[tilespmem:$0xB520] =	vst v63  }
.LBB2_4:
0x14: {  	s0 =	sadd.s32 $0x1400, s28  }
0x15: {  	s2 =	smov.u32 s6;
	s29 =	sadd.s32 $0x1, s29;
	p0 =	slt.s32 s0, s9  }
0x16: {  	s2 =	smov.u32 @p0 s0;
	p0 =	sne.s32 s29, $0x4  }
.Ltmp1:
0x17: {  	_ = 	snop;
	(pc) =	sbr.rel @!p0 .LBB2_13-.Ltmp1, $2  }
0x18: {  	_ =	sdelay $0x2  }
0x19: {  	s30 =	smov.u32 s28;
	s28 =	smov.u32 s2  }
.LBB2_1:
0x1a: {  	p0 =	sgt.s32 s29, $0x1  }
.Ltmp2:
0x1b: {  	_ = 	snop;
	(pc) =	sbr.rel @p0 .LBB2_11-.Ltmp2, $1  }
0x1c: {  	_ =	sdelay $0x3  }
0x1d: {  	p0 =	seq.s32 s29, $0x0  }
.Ltmp3:
0x1e: {  	_ = 	snop;
	(pc) =	sbr.rel @p0 .LBB2_3-.Ltmp3, $1  }
0x1f: {  	_ =	sdelay $0x3  }
0x20: {  	_ =	swait.ge [sflag:s5], $0x1400  }
0x21: {  	[sflag:s5] =	ssyncset.done $0x0  }
0x22: {  	[sflag:s5] =	ssyncadd.s32 $0xFFFFEC00;
	(ifvalue) =	ssetifvalue $0xFFFFFFFF;
	v3 =	vld.msk [tilespmem:s15+$0x0 ss:$0x1], $0xffff;
	_ =	sdelay $0x4  }
0x23: {  	v4 =	vperm.xlane v3, v1  }
0x24: {  	vm4 =	vlt.u32 v3, $0x400000  }
0x25: {  	v3 =	vnsel vm4, $0xFFFFFFFE, v3;
	vm4 =	vlt.u32 v4, $0x400000  }
0x26: {  	[tilespmem:$0x70] =	vst v3;
	v3 =	vnsel vm4, $0xFFFFFFFE, v4  }
0x27: {  	s16 =	simm.s32 $0x14F0;
	[tilespmem:$0x80] =	vst v3  }
0x28: {  	v3 =	vld.msk [tilespmem:s16+$0x0 ss:$0x1], $0xffff;
	_ =	sdelay $0x4  }
0x29: {  	(xrf1) =	vunique.msk.u32 $0xffff, v3;
	_ =	sdelay $0xd  }
0x2a: {  	v4 =	vimm.s32 $0xFFFFFFFF;
	v5, _, _ =	vpop (xrf1)  }
0x2b: {  	vm5 =	vne.s32 v3, v4;
	vm4 =	veq.s32 v5, v2  }
0x2c: {  	vm6 =	vlt.u32 v3, $0x400000;
	vm4 =	vmand vm5, vm4  }
0x2d: {  	vm4 =	vmand vm6, vm4  }
0x2e: {  	v4 =	vnsel vm4, $0xFFFFFFFF, v3;
	_ =	sdelay $0x3  }
0x2f: {  	s0 =	simm.s32 $0x50F0;
	(ifvalue) =	ssetifvalue $0xFFFFFFFF  }
0x30: {  	v3 =	vperm.xlane v3, v1;
	[tilespmem:s0], [sflag:$0x8] =	stream.indirect_vreg.gather [hbm4b:s1+s14], $0x1, v4, vm0, $0x4038;
	v4 =	vnsel vm6, $0xFFFFFFFE, v4;
	[tilespmem:$0xB520] =	vst v63  }
0x31: {  	s2 =	simm.s32 $0x0;
	s3 =	simm.s32 $0x14E0;
	[tilespmem:s16+$0x0] =	vst v4  }
.LBB2_6:
0x32: {  	v4 =	vld.msk [tilespmem:s3+$0x0 ss:$0x1], $0xffff;
	s2 =	sadd.s32 $0x10, s2;
	v5 =	vmov v3;
	s16 =	smov.u32 s3  }
0x33: {  	p0 =	slt.u32 s2, $0x13F0;
	_ =	sdelay $0x4  }
0x34: {  	v3 =	vperm.xlane v4, v1;
	(xrf1) =	vunique.msk.u32 $0xffff, v4;
	_ =	sdelay $0xd  }
0x35: {  	v6, _, _ =	vpop (xrf1)  }
0x36: {  	vm5 =	vne.s32 v4, v5;
	vm4 =	veq.s32 v6, v2  }
0x37: {  	vm6 =	vlt.u32 v4, $0x400000;
	vm4 =	vmand vm5, vm4  }
0x38: {  	vm4 =	vmand vm6, vm4  }
0x39: {  	v4 =	vnsel vm4, $0xFFFFFFFF, v4  }
.Ltmp4:
0x3a: {  	v5 =	vnsel vm6, $0xFFFFFFFE, v4;
	(pc) =	sbr.rel @p0 .LBB2_6-.Ltmp4, $3  }
0x3b: {  	_ =	sdelay $0x1  }
0x3c: {  	s3 =	sadd.s32 $0xFFFFFFF0, s3;
	s0 =	sadd.s32 $0xFFFFFFF0, s0;
	(ifvalue) =	ssetifvalue $0xFFFFFFFF  }
0x3d: {  	[tilespmem:s0], [sflag:$0x8] =	stream.indirect_vreg.gather [hbm4b:s1+s14], $0x1, v4, vm0, $0x4038;
	[tilespmem:s16+$0x0] =	vst v5  }
.Ltmp5:
0x3e: {  	(pc) =	sbr.rel .LBB2_4-.Ltmp5, $4  }
0x3f: {  	_ = 	snop  }
0x40: {  	s0 =	sshrl.u32 s30, $0x3  }
0x41: {  	s2 =	simm.s32 $0x6500;
	s0 =	sadd.s32 s8, s0  }
0x42: {  	[tilespmem:s2], [sflag:$0x8] =	stream.linear.gather [hbm:s0], $0x1400, $0x38;
	[tilespmem:$0xB520] =	vst v63  }
.LBB2_11:
0x43: {  	p0 =	seq.s32 s29, $0x2  }
.Ltmp6:
0x44: {  	_ = 	snop;
	(pc) =	sbr.rel @!p0 .LBB2_12-.Ltmp6, $1  }
0x45: {  	_ =	sdelay $0x3  }
0x46: {  	_ =	swait.ge [sflag:s7], $0x2800  }
0x47: {  	[sflag:s7] =	ssyncset.done $0x0  }
0x48: {  	[sflag:s7] =	ssyncadd.s32 $0xFFFFD800  }
0x49: {  	[spmem:s11] =	stream.linear.scatter [tilespmem:s17], [sflag:$0x1], $0x1, $0x38;
	[tilespmem:$0xB520] =	vst v63  }
0x4a: {  	_ =	swait.ge [sflag:s4], $0x1  }
0x4b: {  	[sflag:s4] =	ssyncset.done $0x0  }
0x4c: {  	[sflag:s4] =	ssyncadd.s32 $0xFFFFFFFF  }
0x4d: {  	v4 =	vld [tilespmem:$0x10]  }
0x4e: {  	v5 =	vld [tilespmem:$0x70]  }
0x4f: {  	v3 =	vld [tilespmem:$0x80];
	_ =	sdelay $0x2  }
0x50: {  	(v2sf) =	vpush v4, $0x0  }
0x51: {  	(v2sf) =	vpush v5, $0x0  }
0x52: {  	(v2sf) =	vpush v3, $0x0;
	_ =	sdelay $0xc  }
0x53: {  	s0 =	spop (v2sf)  }
0x54: {  	s2 =	spop (v2sf)  }
0x55: {  	s30 =	spop (v2sf)  }
0x56: {  	p0 =	seq.s32 s0, s2;
	p1 =	seq.s32 s30, s0  }
0x57: {  	p1 =	por p0, p1  }
0x58: {  	v4 =	vpsel p1, $0xFFFFFFFF, v4  }
0x59: {  	[tilespmem:s18+$0x0] =	vst.msk $0x1, v4  }
0x5a: {  	v4 =	vld [tilespmem:$0x30]  }
0x5b: {  	v5 =	vld [tilespmem:$0x6500]  }
0x5c: {  	v6 =	vld [tilespmem:$0x40];
	_ =	sdelay $0x3  }
0x5d: {  	vm4 =	vmmov vm1;
	v5 =	vadd.f32 v5, v4  }
0x5e: {  	vm5 =	vmmov vm2;
	s31 =	simm.s32 $0x6500;
	vm4 =	vmmov @p0 vm2;
	v4 =	vadd.f32 v6, v4  }
0x5f: {  	vm5 =	vmmov @p1 vm1;
	[tilespmem:s31+$0x0] =	vst.msk vm4, v5  }
0x60: {  	[tilespmem:s19+$0x0] =	vst.msk vm5, v4  }
0x61: {  	v4 =	vld [tilespmem:$0x50F0];
	_ =	sdelay $0x3  }
0x62: {  	v5 =	vimm.f32 $0.0e+00  }
0x63: {  	v4 =	vshift.insert v4, v5, s20;
	_ =	sdelay $0x1  }
0x64: {  	[tilespmem:s21+$0x0] =	vst.msk $0x1, v4  }
0x65: {  	[tilespmem:s22+$0x0] =	vst.msk $0x1, v5  }
0x66: {  	v4 =	vld [tilespmem:$0x14F0];
	_ =	sdelay $0x4  }
0x67: {  	v4 =	vshift.insert v4, v1, s20;
	_ =	sdelay $0x1  }
0x68: {  	[tilespmem:s23+$0x0] =	vst.msk $0x1, v4  }
0x69: {  	s16 =	simm.s32 $0x100;
	v6 =	vld [tilespmem:s31+$0x0]  }
0x6a: {  	v7 =	vld [tilespmem:s16+$0x0];
	_ =	sdelay $0x3  }
0x6b: {  	v5 =	vadd.f32 v6, v5  }
0x6c: {  	vm4 =	vne.s32 v7, $0xFFFFFFFF  }
0x6d: {  	(xrf2) =	vadd.seg.scan.f32 vm4, v5;
	_ =	sdelay $0x3  }
0x6e: {  	s0 =	simm.s32 $0x3D00;
	v5 =	vperm.xlane v4, v1  }
0x6f: {  	v6 =	vld [tilespmem:s0+$0x0]  }
0x70: {  	vm5 =	veq.s32 v7, v3;
	vm6 =	veq.s32 v7, v5  }
0x71: {  	vm7 =	vgt.u32 v7, $0xFFFFFFFD;
	vm6 =	vmor vm6, vm5  }
0x72: {  	vm6 =	vmor vm6, vm7  }
0x73: {  	v9 =	vld [tilespmem:$0xA0];
	v7 =	vsel vm6, $0xFFFFFFFF, v7  }
0x74: {  	v10 =	vld [tilespmem:$0x90];
	v6 =	vsel vm5, $0x0, v6;
	v8, _, _ =	vpop (xrf2)  }
0x75: {  	v6 =	vadd.f32 v8, v6  }
0x76: {  	s2 =	simm.s32 $0x8D00  }
0x77: {  	vm4 =	vmand vm4, vm3;
	[tilespmem:s2+$0x0] =	vst v6;
	(ifvalue) =	ssetifvalue $0xFFFFFFFF  }
0x78: {  	vm6 =	veq.s32 v9, $0x1;
	[hbm4b:s1+s14] =	stream.indirect_vreg.scatter [tilespmem:s2], [sflag:$0x2], $0x1, v7, vm0, $0x4038;
	v7 =	vsel vm4, $0x0, v8;
	[tilespmem:$0xB520] =	vst v63  }
0x79: {  	s3 =	simm.s32 $0x0;
	s16 =	simm.s32 $0x110;
	vm4 =	vmor vm6, vm5;
	v6 =	vsel vm5, v8, v10;
	v7 =	vshift.insert v7, v0, s20  }
.LBB2_9:
0x7a: {  	v8 =	vld [tilespmem:s16+$0x0];
	s31 =	sadd.s32 $0x10, s31  }
0x7b: {  	s0 =	sadd.s32 $0x10, s0;
	v9 =	vld [tilespmem:s31+$0x0]  }
0x7c: {  	s3 =	sadd.s32 $0x10, s3;
	v10 =	vld [tilespmem:s0+$0x0]  }
0x7d: {  	p0 =	slt.u32 s3, $0x13F0;
	_ =	sdelay $0x2  }
0x7e: {  	v7 =	vadd.f32 v9, v7  }
0x7f: {  	vm5 =	vne.s32 v8, $0xFFFFFFFF  }
0x80: {  	vm6 =	vmand vm5, vm3;
	(xrf2) =	vadd.seg.scan.f32 vm5, v7;
	_ =	sdelay $0x5  }
0x81: {  	vm7 =	veq.s32 v8, v5;
	vm5 =	veq.s32 v8, v3  }
0x82: {  	vm8 =	vgt.u32 v8, $0xFFFFFFFD;
	vm4 =	vmor vm4, vm5;
	vm7 =	vmor vm7, vm5  }
0x83: {  	vm7 =	vmor vm7, vm8  }
0x84: {  	v8 =	vsel vm7, $0xFFFFFFFF, v8  }
.Ltmp7:
0x85: {  	v7 =	vsel vm5, $0x0, v10;
	v9, _, _ =	vpop (xrf2);
	(pc) =	sbr.rel @p0 .LBB2_9-.Ltmp7, $4  }
0x86: {  	v6 =	vsel vm5, v9, v6;
	v10 =	vadd.f32 v9, v7;
	v7 =	vsel vm6, $0x0, v9  }
0x87: {  	s2 =	sadd.s32 $0x10, s2;
	v7 =	vshift.insert v7, v0, s20  }
0x88: {  	s16 =	sadd.s32 $0x10, s16;
	[tilespmem:s2+$0x0] =	vst v10;
	(ifvalue) =	ssetifvalue $0xFFFFFFFF  }
0x89: {  	[hbm4b:s1+s14] =	stream.indirect_vreg.scatter [tilespmem:s2], [sflag:$0x2], $0x1, v8, vm0, $0x4038;
	[tilespmem:$0xB520] =	vst v63  }
0x8a: {  	v3 =	vld [tilespmem:$0xA0F0];
	_ =	sdelay $0x4  }
0x8b: {  	v3 =	vshift.insert v3, v0, s20;
	_ =	sdelay $0x1  }
0x8c: {  	[tilespmem:s24+$0x0] =	vst.msk $0x1, v3  }
0x8d: {  	v3 =	vsel vm4, $0x1, v1;
	[tilespmem:$0x90] =	vst v6  }
0x8e: {  	[tilespmem:$0xA0] =	vst v3  }
0x8f: {  	[spmem:s12] =	stream.linear.scatter [tilespmem:s25], [sflag:$0x1], $0x1, $0x38;
	[tilespmem:$0xB520] =	vst v63  }
0x90: {  	v3 =	vmctz.xlane vm4;
	_ =	swait.ge [sflag:s4], $0x1  }
0x91: {  	(v2sf) =	vpush v4, $0x0  }
0x92: {  	(v2sf) =	vpush v3, $0x0;
	_ =	sdelay $0xd  }
0x93: {  	s0 =	spop (v2sf)  }
0x94: {  	s2 =	spop (v2sf)  }
0x95: {  	[sflag:s4] =	ssyncset.done $0x0;
	p0 =	sne.s32 s30, s0;
	p1 =	slt.s32 s2, $0xF  }
0x96: {  	[sflag:s4] =	ssyncadd.s32 $0xFFFFFFFF;
	v3 =	vimm.s32 @!p0 $0xFFFFFFFF;
	s2 =	simm.s32 @!p1 $0xF  }
0x97: {  	[tilespmem:$0x80] =	vst @!p0 v3;
	s31 =	sadd.s32 $0x90, s2  }
0x98: {  	[spmem:s10] =	stream.linear.scatter [tilespmem:s31], [sflag:$0x1], $0x1, $0x38;
	[tilespmem:$0xB520] =	vst v63  }
0x99: {  	_ =	swait.ge [sflag:s4], $0x1  }
0x9a: {  	[sflag:s4] =	ssyncset.done $0x0  }
0x9b: {  	[sflag:s4] =	ssyncadd.s32 $0xFFFFFFFF  }
0x9c: {  	[spmem:s13] =	stream.linear.scatter [tilespmem:s26], [sflag:$0x1], $0x1, $0x38;
	[tilespmem:$0xB520] =	vst v63  }
0x9d: {  	_ =	swait.ge [sflag:s4], $0x1  }
0x9e: {  	[sflag:s4] =	ssyncset.done $0x0  }
0x9f: {  	[sflag:s4] =	ssyncadd.s32 $0xFFFFFFFF;
	(ifvalue) =	ssetifvalue $0xFFFFFFFF;
	v3 =	vld [tilespmem:$0x10];
	_ =	sdelay $0x3  }
.Ltmp8:
0xa0: {  	_ = 	snop;
	(pc) =	sbr.rel .LBB2_4-.Ltmp8, $3  }
0xa1: {  	_ =	sdelay $0x1  }
0xa2: {  	(ifvalue) =	ssetifvalue $0xFFFFFFFF  }
0xa3: {  	[hbm4b:s1+s14] =	stream.indirect_vreg.scatter [tilespmem:s19], [sflag:$0x9], $0x1, v3, vm0, $0x4038;
	[tilespmem:$0xB520] =	vst v63  }
.LBB2_12:
0xa4: {  	s0 =	simm.s32 $0x2  }
0xa5: {  	_ =	swait.ge [sflag:s0], $0x1400  }
0xa6: {  	[sflag:s0] =	ssyncset.done $0x0  }
0xa7: {  	s31 =	simm.s32 $0x9;
	[sflag:s0] =	ssyncadd.s32 $0xFFFFEC00  }
0xa8: {  	_ =	swait.ge [sflag:s31], $0x10  }
0xa9: {  	[sflag:s31] =	ssyncset.done $0x0  }
0xaa: {  	[sflag:s31] =	ssyncadd.s32 $0xFFFFFFF0  }
.LBB2_13:
0xab: {  	_ =	sfence.sel $0x180000  }
0xac: {  	s0 =	simm.s32 $0x7;
	[bflag:$0x0] =	sbarrier.arrive $0xFFFF  }
0xad: {  	s26 =	simm.s32 $0x8;
	[sflag:s0] =	ssyncpa.u1 $0x1  }
0xae: {  	s28 =	simm.s32 $0x9;
	[sflag:s26] =	ssyncpa.u1 $0x1  }
0xaf: {  	[sflag:s28] =	ssyncpa.u1 $0x1  }
0xb0: {  	_ =	sfence.stream.spmem  }
0xb1: {  	s29 =	simm.s32 $0x3;
	[bflag:$0x0] =	sbarrier.arrive $0xFFFF  }
0xb2: {  	s30 =	simm.s32 $0x4;
	[sflag:s29] =	ssyncpa.u1 $0x1  }
0xb3: {  	s31 =	simm.s32 $0x3C;
	s2 =	stileid.u32;
	[sflag:s30] =	ssyncpa.u1 $0x1  }
0xb4: {  	p0 =	sne.s32 s2, $0x0;
	[sflag:s31] =	ssyncpa.u1 $0x1  }
0xb5: {  	s0 =	simm.s32 @p0 $0x1;
	_ =	sfence @p0  }
0xb6: {  	[sflag:s0] =	ssyncpa.u1 @p0 $0x1;
	s0 =	simm.s32 @p0 $0x2  }
0xb7: {  	[sflag:s0] =	ssyncpa.u1 @p0 $0x1  }
0xb8: {  	_ =	strace @p0 $0x90000047  }
0xb9: {  	[bflag:$0x2] =	sbarrier.arrive @p0 $0xFFFF  }
0xba: {  	_ =	shalt @p0  }
.LBB2_14:
0xbb: {  	_ =	sfence.stream.spmem;
	s0 =	simm.s32 $0x5  }
0xbc: {  	s2 =	simm.s32 $0x80;
	s3 =	simm.s32 $0xC0;
	[sflag:s0] =	ssyncpa.u1 $0x0  }
0xbd: {  	[tilespmem:s3], [sflag:$0x5] =	stream.linear.gather [spmem:s2], $0x20, $0x38;
	[tilespmem:$0xB520] =	vst v63  }
0xbe: {  	s2 =	simm.s32 $0x0;
	s3 =	simm.s32 $0xE0  }
0xbf: {  	[tilespmem:s3], [sflag:$0x5] =	stream.linear.gather [spmem:s2], $0x20, $0x38;
	[tilespmem:$0xB520] =	vst v63  }
.Ltmp9:
0xc0: {  	_ = 	snop;
	(pc) =	sbr.rel .LBB2_15-.Ltmp9, $4  }
0xc1: {  	_ =	swait.ge [sflag:s0], $0x40  }
0xc2: {  	[sflag:s0] =	ssyncset.done $0x0  }
0xc3: {  	s31 =	simm.s32 $0x6;
	[sflag:s0] =	ssyncadd.s32 $0xFFFFFFC0  }
0xc4: {  	s4 =	simm.s32 $0x0;
	[sflag:s31] =	ssyncpa.u1 $0x0  }
.LBB2_20:
0xc5: {  	p0 =	sgt.u32 s0, $0x3FFFFF  }
0xc6: {  	s5 =	sshrl.u32 @!p0 s0, $0x3  }
0xc7: {  	s0 =	sand.u32 @!p0 $0x7, s0;
	s6 =	simm.s32 @!p0 $0xB0;
	s5 =	sadd.s32 @!p0 s1, s5  }
0xc8: {  	[tilespmem:s6], [sflag:$0x6] =	stream.linear.gather @!p0 [hbm4b:s5+s0], $0x1, $0x38;
	[tilespmem:$0xB520] =	vst v63  }
0xc9: {  	s0 =	simm.s32 @!p0 $0x6  }
0xca: {  	_ =	swait.ge @!p0 [sflag:s0], $0x1  }
0xcb: {  	[sflag:s0] =	ssyncset.done @!p0 $0x0  }
0xcc: {  	[sflag:s0] =	ssyncadd.s32 @!p0 $0xFFFFFFFF  }
0xcd: {  	v2 =	vmov @!p0 s4;
	v1 =	vld.msk @!p0 [tilespmem:$0xB0], $0x1;
	_ =	sdelay $0x3  }
0xce: {  	s0 =	simm.s32 @!p0 $0xE0  }
0xcf: {  	[tilespmem:v2+s0+$0x0], v1 =	vst.idx.ret.add.f32.msk @!p0 $0x1, v1  }
0xd0: {  	[tilespmem:s2+$0xC0] =	vst.msk $0x1, v0  }
0xd1: {  	v0 =	vld.msk [tilespmem:s4+$0xE0], $0x1;
	_ =	sdelay $0x4  }
0xd2: {  	[tilespmem:s2+$0xE0] =	vst.msk $0x1, v0;
	s2 =	sadd.s32 $0x1, s2  }
.LBB2_22:
0xd3: {  	s4 =	sadd.s32 $0x1, s4  }
0xd4: {  	p0 =	sne.s32 s4, $0x20  }
.Ltmp10:
0xd5: {  	_ = 	snop;
	(pc) =	sbr.rel @!p0 .LBB2_23-.Ltmp10, $1  }
0xd6: {  	_ =	sdelay $0x3  }
.LBB2_15:
0xd7: {  	v0 =	vld.msk [tilespmem:s4+$0xC0], $0x1;
	_ =	sdelay $0x4  }
0xd8: {  	(v2sf) =	vpush v0, $0x0;
	_ =	sdelay $0xe  }
0xd9: {  	s0 =	spop (v2sf)  }
0xda: {  	p0 =	seq.s32 s0, $0xFFFFFFFF  }
.Ltmp11:
0xdb: {  	_ = 	snop;
	(pc) =	sbr.rel @p0 .LBB2_22-.Ltmp11, $1  }
0xdc: {  	_ =	sdelay $0x3  }
0xdd: {  	p0 =	slt.s32 s2, $0x1  }
.Ltmp12:
0xde: {  	_ = 	snop;
	(pc) =	sbr.rel @p0 .LBB2_20-.Ltmp12, $1  }
0xdf: {  	_ =	sdelay $0x3  }
0xe0: {  	s5 =	simm.s32 $0xC0;
	p0 =	por $0x0, $0x0  }
0xe1: {  	v1 =	vld.msk @!p0 [tilespmem:s5+$0x0], $0x1;
	_ =	sdelay $0x4  }
0xe2: {  	(v2sf) =	vpush @!p0 v1, $0x0;
	_ =	sdelay $0xd  }
0xe3: {  	p2 =	sne.s32 s2, $0x1  }
.Ltmp13:
0xe4: {  	s6 =	spop @!p0 (v2sf);
	(pc) =	sbr.rel @!p2 .LBB2_19-.Ltmp13, $4  }
0xe5: {  	p1 =	seq.s32 @!p0 s0, s6  }
0xe6: {  	s6 =	simm.s32 $0x0;
	p1 =	por !p1, p0  }
0xe7: {  	s8 =	simm.s32 $0xFFFFFFFF;
	s6 =	simm.s32 @p1 $0xFFFFFFFF  }
0xe8: {  	s7 =	simm.s32 $0x1;
	s6 =	smov.u32 @p0 s8  }
.LBB2_18:
0xe9: {  	s8 =	smov.u32 s6;
	p0 =	sne.s32 s6, $0xFFFFFFFF  }
0xea: {  	s5 =	sadd.s32 $0x1, s5;
	s6 =	smov.u32 s7;
	s7 =	sadd.s32 $0x1, s7  }
0xeb: {  	p1 =	sne.s32 s2, s7;
	v1 =	vld.msk @!p0 [tilespmem:s5+$0x0], $0x1;
	_ =	sdelay $0x4  }
0xec: {  	(v2sf) =	vpush @!p0 v1, $0x0;
	_ =	sdelay $0xe  }
.Ltmp14:
0xed: {  	s9 =	spop @!p0 (v2sf);
	(pc) =	sbr.rel @p1 .LBB2_18-.Ltmp14, $4  }
0xee: {  	p2 =	seq.s32 @!p0 s0, s9  }
0xef: {  	p2 =	por !p2, p0  }
0xf0: {  	s6 =	simm.s32 @p2 $0xFFFFFFFF  }
0xf1: {  	s6 =	smov.u32 @p0 s8  }
.LBB2_19:
0xf2: {  	p0 =	sne.s32 s6, $0xFFFFFFFF  }
.Ltmp15:
0xf3: {  	_ = 	snop;
	(pc) =	sbr.rel @!p0 .LBB2_20-.Ltmp15, $1  }
0xf4: {  	_ =	sdelay $0x3  }
0xf5: {  	v0 =	vld.msk [tilespmem:s4+$0xE0], $0x1;
	v1 =	vmov s6  }
.Ltmp16:
0xf6: {  	_ = 	snop;
	(pc) =	sbr.rel .LBB2_22-.Ltmp16, $2  }
0xf7: {  	_ =	sdelay $0x2  }
0xf8: {  	[tilespmem:v1+s3+$0x0], v0 =	vst.idx.ret.add.f32.msk $0x1, v0  }
.LBB2_23:
0xf9: {  	p0 =	slt.s32 s2, $0x1  }
.Ltmp17:
0xfa: {  	_ = 	snop;
	(pc) =	sbr.rel @p0 .LBB2_27-.Ltmp17, $3  }
0xfb: {  	_ =	sdelay $0x1  }
0xfc: {  	s0 =	simm.s32 $0x6  }
0xfd: {  	[sflag:s0] =	ssyncpa.u1 $0x1;
	s0 =	simm.s32 $0x0  }
0xfe: {  	s3 =	simm.s32 $0xC0  }
0xff: {  	v0 =	vld.msk [tilespmem:s3+$0x0], $0x1;
	_ =	sdelay $0x4  }
0x100: {  	(v2sf) =	vpush v0, $0x0;
	_ =	sdelay $0xe  }
0x101: {  	s2 =	sadd.s32 $0xFFFFFFFF, s2;
	s4 =	spop (v2sf)  }
0x102: {  	p1 =	sne.s32 s2, $0x0;
	p0 =	sgt.u32 s4, $0x3FFFFF  }
.Ltmp18:
0x103: {  	s5 =	sshrl.u32 @!p0 s4, $0x3;
	(pc) =	sbr.rel @!p1 .LBB2_26-.Ltmp18, $4  }
0x104: {  	s3 =	simm.s32 $0xE0;
	s4 =	sand.u32 @!p0 $0x7, s4;
	s5 =	sadd.s32 @!p0 s1, s5  }
0x105: {  	[hbm4b:s5+s4] =	stream.linear.scatter @!p0 [tilespmem:s3], [sflag:$0x5], $0x1, $0x38;
	[tilespmem:$0xB520] =	vst v63  }
0x106: {  	s5 =	simm.s32 $0x0  }
0x107: {  	s4 =	simm.s32 $0xC1;
	s5 =	simm.s32 @!p0 $0x4  }
.LBB2_25:
0x108: {  	v0 =	vld.msk [tilespmem:s4+$0x0], $0x1;
	s2 =	sadd.s32 $0xFFFFFFFF, s2;
	s0 =	sadd.s32 s0, s5  }
0x109: {  	p0 =	sne.s32 s2, $0x0;
	_ =	sdelay $0x3  }
0x10a: {  	(v2sf) =	vpush v0, $0x0;
	_ =	sdelay $0xe  }
.Ltmp19:
0x10b: {  	s6 =	spop (v2sf);
	(pc) =	sbr.rel @p0 .LBB2_25-.Ltmp19, $4  }
0x10c: {  	s5 =	simm.s32 $0x0;
	p1 =	sgt.u32 s6, $0x3FFFFF  }
0x10d: {  	s3 =	sadd.s32 $0x1, s3;
	s5 =	simm.s32 @!p1 $0x4;
	s7 =	sshrl.u32 @!p1 s6, $0x3  }
0x10e: {  	s4 =	sadd.s32 $0x1, s4;
	s6 =	sand.u32 @!p1 $0x7, s6;
	s7 =	sadd.s32 @!p1 s1, s7  }
0x10f: {  	[hbm4b:s7+s6] =	stream.linear.scatter @!p1 [tilespmem:s3], [sflag:$0x5], $0x1, $0x38;
	[tilespmem:$0xB520] =	vst v63  }
.LBB2_26:
0x110: {  	s0 =	sadd.s32 s0, s5  }
0x111: {  	s0 =	sshrl.u32 s0, $0x2  }
.LBB2_27:
0x112: {  	s1 =	simm.s32 $0x5  }
0x113: {  	_ =	swait.ge [sflag:s1], s0  }
0x114: {  	s28 =	ssub.s32 $0x0, s0;
	[sflag:s1] =	ssyncset.done $0x0  }
0x115: {  	[sflag:s1] =	ssyncadd.s32 s28  }
0x116: {  	[sflag:s1] =	ssyncpa.u1 $0x1  }
0x117: {  	s29 =	simm.s32 $0x1;
	_ =	sfence  }
0x118: {  	s30 =	simm.s32 $0x2;
	[sflag:s29] =	ssyncpa.u1 $0x1  }
0x119: {  	[sflag:s30] =	ssyncpa.u1 $0x1  }
0x11a: {  	_ =	strace $0x90000047  }
0x11b: {  	[bflag:$0x2] =	sbarrier.arrive $0xFFFF  }
0x11c: {  	s31 =	rddreg [dreg:$0x2]  }
0x11d: {  	s0 =	sadd.s32 $0x100000, s31  }
0x11e: {  	[sflag:s0] =	ssyncadd.tile.s32 $0x1;
	_ =	shalt  }
.Lfunc_end2:
_tile_overlayer_lowered:
.L_overlay_start_2:
0x11f: {  	(tag) =	ssettag $0x2  }
0x120: {  	s0 =	rddreg [dreg:$0x0];
	s2 =	stileid.u32  }
0x121: {  	s1 =	rddreg [dreg:$0x1];
	p0 =	sne.s32 s2, $0x0  }
0x122: {  	s3 =	rddreg [dreg:$0x2];
	[bflag:$0x3] =	sbarrier.arrive $0xFFFF;
	s2 =	simm.s32 @!p0 $0x1C01  }
0x123: {  	[timem:s3], [sflag:s2] =	dma.local @!p0 [hbm:s0], s1  }
0x124: {  	s0 =	simm.s32 @!p0 $0x1  }
0x125: {  	_ =	swait.ge @!p0 [sflag:s0], s1  }
0x126: {  	s1 =	ssub.s32 @!p0 $0x0, s1;
	[sflag:s0] =	ssyncset.done @!p0 $0x0  }
0x127: {  	[sflag:s0] =	ssyncadd.s32 @!p0 s1  }
0x128: {  	[bflag:$0x3] =	sbarrier.arrive $0xFFFF  }
0x129: {  	_ =	shalt  }

</sc_bundles>
